<compile_context>
chip_gen: v7x
topology: tpu7x:2x2x1
jax: 0.10.2.dev20260603
libtpu: 0.0.44.dev20260713+nightly
codegen_flags: <defaults>
</compile_context>

<pallas_src>
import jax
import jax.numpy as jnp
from jax import lax
from jax.experimental import pallas as pl
from jax.experimental.pallas import tpu as pltpu

_MAX_IOU = 0.5
_NEG_POS = 3.0
_B, _D, _C, _T = 32, 8732, 81, 32
_BISECT_ITERS = 30


def _image_pass(db_ref, tb_ref, lab_ref, loc_ref, conf_ref):
    tb = tb_ref[0]
    lab = lab_ref[0]
    db = db_ref[...]

    dx1 = db[0:1, :]
    dy1 = db[1:2, :]
    dx2 = db[2:3, :]
    dy2 = db[3:4, :]
    tx1 = tb[:, 0:1]
    ty1 = tb[:, 1:2]
    tx2 = tb[:, 2:3]
    ty2 = tb[:, 3:4]

    iw = jnp.maximum(jnp.minimum(tx2, dx2) - jnp.maximum(tx1, dx1), 0.0)
    ih = jnp.maximum(jnp.minimum(ty2, dy2) - jnp.maximum(ty1, dy1), 0.0)
    inter = iw * ih
    a_t = (tx2 - tx1) * (ty2 - ty1)
    a_d = (dx2 - dx1) * (dy2 - dy1)
    iou = inter / (a_t + a_d - inter)

    best = jnp.max(iou, axis=0, keepdims=True)
    t_iota = lax.broadcasted_iota(jnp.int32, (_T, _D), 0)
    bidx = jnp.min(jnp.where(iou == best, t_iota, _T),
                   axis=0, keepdims=True)
    sel = t_iota == bidx

    pos = best >= _MAX_IOU

    vals = jnp.concatenate([tb, lab], axis=1)
    vals_t = lax.transpose(vals, (1, 0))
    gath = lax.dot_general(vals_t, sel.astype(jnp.float32),
                           (((1,), (0,)), ((), ())),
                           precision=lax.Precision.HIGHEST)
    sx1 = gath[0:1, :]
    sy1 = gath[1:2, :]
    sx2 = gath[2:3, :]
    sy2 = gath[3:4, :]
    conf_lab = gath[4:5, :]

    dw = dx2 - dx1
    dh = dy2 - dy1
    g0 = ((sx1 + sx2) * 0.5 - (dx1 + dx2) * 0.5) * 10.0 / dw
    g1 = ((sy1 + sy2) * 0.5 - (dy1 + dy2) * 0.5) * 10.0 / dh
    g2 = jnp.log((sx2 - sx1) / dw) * 5.0
    g3 = jnp.log((sy2 - sy1) / dh) * 5.0

    loc = loc_ref[0]
    l_vec = jnp.zeros((1, 1), jnp.float32)
    for i, g in enumerate((g0, g1, g2, g3)):
        d = loc[i:i + 1, :] - g
        ad = jnp.abs(d)
        sl1 = jnp.where(ad < 1.0, 0.5 * d * d, ad - 0.5)
        l_vec = l_vec + jnp.sum(jnp.where(pos, sl1, 0.0), keepdims=True)

    conf = conf_ref[0].astype(jnp.float32)
    s = jnp.sum(jnp.exp(conf), axis=0, keepdims=True)
    lse = jnp.log(s)
    cls = jnp.where(pos, conf_lab, 0.0).astype(jnp.int32)
    c_iota = lax.broadcasted_iota(jnp.int32, (_C, _D), 0)
    picked = jnp.sum(jnp.where(c_iota == cls, conf, 0.0),
                     axis=0, keepdims=True)
    ce = lse - picked

    cep_vec = jnp.sum(jnp.where(pos, ce, 0.0), keepdims=True)
    np_vec = jnp.sum(pos.astype(jnp.float32), keepdims=True)
    cen_row = jnp.where(pos, 0.0, ce)
    aux_row = jnp.concatenate([np_vec, l_vec, cep_vec], axis=1)
    return cen_row, aux_row


def _mbl_kernel(db_ref, tb_ref, lab_ref, loc_ref, conf_ref,
                out_l_ref, out_c_ref,
                cen_s_ref, aux_s_ref):
    b = pl.program_id(0)
    cen_row, aux_row = _image_pass(db_ref, tb_ref, lab_ref, loc_ref,
                                   conf_ref)
    cen_s_ref[pl.ds(b, 1), :] = cen_row
    aux_s_ref[pl.ds(b, 1), :] = aux_row

    @pl.when(b == _B - 1)
    def _finish():
        cen = cen_s_ref[...]
        aux = aux_s_ref[...]
        npv = aux[:, 0:1]
        k = jnp.minimum(npv * _NEG_POS, float(_D))
        hi = jnp.max(cen, axis=1, keepdims=True)
        lo = jnp.zeros_like(hi)

        def body(_, lh):
            lo_, hi_ = lh
            t = 0.5 * (lo_ + hi_)
            cnt = jnp.sum((cen > t).astype(jnp.float32),
                          axis=1, keepdims=True)
            gek = cnt >= k
            return jnp.where(gek, t, lo_), jnp.where(gek, hi_, t)

        lo, hi = lax.fori_loop(0, _BISECT_ITERS, body, (lo, hi))
        t = 0.5 * (lo + hi)
        gt = cen > t
        cnt = jnp.sum(gt.astype(jnp.float32), axis=1, keepdims=True)
        gts = jnp.sum(jnp.where(gt, cen, 0.0), axis=1, keepdims=True)
        topk = gts + (k - cnt) * t
        loss_c = jnp.sum(aux[:, 2:3]) + jnp.sum(topk)
        loss_l = jnp.sum(aux[:, 1:2])
        n_tot = jnp.maximum(jnp.sum(npv), 1.0)
        out_l_ref[...] = jnp.full((1, 1), loss_l / n_tot, jnp.float32)
        out_c_ref[...] = jnp.full((1, 1), loss_c / n_tot, jnp.float32)


def kernel(loc_data, conf_data, dboxes, target_bboxes, target_labels):
    conf_t = conf_data.astype(jnp.bfloat16).transpose(0, 2, 1)
    loc_t = loc_data.transpose(0, 2, 1)
    db_t = dboxes.T
    lab = target_labels.astype(jnp.float32)[..., None]

    out_l, out_c = pl.pallas_call(
        _mbl_kernel,
        grid=(_B,),
        in_specs=[
            pl.BlockSpec((4, _D), lambda b: (0, 0)),
            pl.BlockSpec((1, _T, 4), lambda b: (b, 0, 0)),
            pl.BlockSpec((1, _T, 1), lambda b: (b, 0, 0)),
            pl.BlockSpec((1, 4, _D), lambda b: (b, 0, 0)),
            pl.BlockSpec((1, _C, _D), lambda b: (b, 0, 0)),
        ],
        out_specs=[
            pl.BlockSpec((1, 1), lambda b: (0, 0)),
            pl.BlockSpec((1, 1), lambda b: (0, 0)),
        ],
        out_shape=[
            jax.ShapeDtypeStruct((1, 1), jnp.float32),
            jax.ShapeDtypeStruct((1, 1), jnp.float32),
        ],
        scratch_shapes=[
            pltpu.VMEM((_B, _D), jnp.float32),
            pltpu.VMEM((_B, 3), jnp.float32),
        ],
    )(db_t, target_bboxes, lab, loc_t, conf_t)
    return out_l[0, 0], out_c[0, 0]

# --- scband reference (transcript-rebuilt; emitter-appended) ---
"""Pipeline reference for scband-multi-box-loss-72249939853705 (READ-ONLY COPY).

The authoritative reference and input builder live on the scoring server;
editing this copy changes nothing except your own understanding.
"""

import jax, jax.numpy as jnp
import numpy as np

MAX_IOU = 0.5
NEG_POS = 3
B, D, C, T = 32, 8732, 81, 32


def setup_inputs(seed: int = 0):
    key = jax.random.key(seed)
    k1, k2, k3, k4, k5, k6, k7 = jax.random.split(key, 7)
    # default boxes (anchors), corner format, normalized coords
    cxy = jax.random.uniform(k1, (D, 2), minval=0.05, maxval=0.95)
    wh = jax.random.uniform(k2, (D, 2), minval=0.05, maxval=0.3)
    db = jnp.concatenate([cxy - wh / 2.0, cxy + wh / 2.0], axis=1)
    db = jnp.clip(db, 0.001, 0.999)
    # target boxes: jittered copies of random default boxes so positives exist
    idx = jax.random.randint(k3, (B, T), 0, D)
    tb = db[idx]
    noise = jax.random.uniform(k4, (B, T, 4), minval=-0.01, maxval=0.01)
    tb = jnp.clip(tb + noise, 0.0, 1.0)
    mins = jnp.minimum(tb[..., :2], tb[..., 2:] - 1e-3)
    maxs = jnp.maximum(tb[..., 2:], tb[..., :2] + 1e-3)
    tb = jnp.concatenate([mins, maxs], axis=-1)
    loc_data = jax.random.normal(k5, (B, D, 4)) * 0.1
    conf_data = jax.random.normal(k6, (B, D, C))
    target_labels = jax.random.randint(k7, (B, T), 1, C)
    return {"loc_data": loc_data, "conf_data": conf_data, "dboxes": db,
            "target_bboxes": tb, "target_labels": target_labels}


def _iou(tb, db):
    mins = jnp.maximum(tb[:, None, :2], db[None, :, :2])
    maxs = jnp.minimum(tb[:, None, 2:], db[None, :, 2:])
    wh = jnp.clip(maxs - mins, 0.0, None)
    inter = wh[..., 0] * wh[..., 1]
    a1 = ((tb[:, 2] - tb[:, 0]) * (tb[:, 3] - tb[:, 1]))[:, None]
    a2 = ((db[:, 2] - db[:, 0]) * (db[:, 3] - db[:, 1]))[None, :]
    return inter / (a1 + a2 - inter)


def _encode(tb, db):
    d_size = db[:, 2:] - db[:, :2]
    t_size = tb[:, 2:] - tb[:, :2]
    d_c = (db[:, :2] + db[:, 2:]) * 0.5
    t_c = (tb[:, :2] + tb[:, 2:]) * 0.5
    dxy = (t_c - d_c) * 10.0 / d_size
    dwh = jnp.log(t_size / d_size) * 5.0
    return jnp.concatenate([dxy, dwh], axis=1)


def _match(tb, labels, db):
    i = _iou(tb, db)  # (T, D)
    best_iou = i.max(axis=0)
    best_idx = i.argmax(axis=0)
    conf_t = jnp.where(best_iou < MAX_IOU, 0, labels[best_idx])
    loc_t = _encode(tb[best_idx], db)
    return conf_t, loc_t


def reference(loc_data, conf_data, dboxes, target_bboxes, target_labels):
    conf_t, loc_t = jax.vmap(_match, in_axes=(0, 0, None))(target_bboxes, target_labels, dboxes)
    pos = conf_t > 0  # (B, D)
    # localization loss: smooth L1, summed over positive boxes
    d = loc_data - loc_t
    ad = jnp.abs(d)
    sl1 = jnp.where(ad < 1.0, 0.5 * d * d, ad - 0.5)
    loss_l = jnp.sum(sl1 * pos[..., None].astype(sl1.dtype))
    # per-box cross entropy
    logp = jax.nn.log_softmax(conf_data, axis=-1)
    ce = -jnp.take_along_axis(logp, conf_t[..., None], axis=-1)[..., 0]  # (B, D)
    # hard negative mining
    loss_c_neg = jnp.where(pos, 0.0, ce)
    loss_idx = jnp.argsort(-loss_c_neg, axis=1)
    idx_rank = jnp.argsort(loss_idx, axis=1)
    num_pos = pos.sum(axis=1, keepdims=True)
    num_neg = jnp.minimum(num_pos * NEG_POS, D)
    neg = idx_rank < num_neg
    keep = jnp.logical_or(pos, neg)
    loss_c = jnp.sum(ce * keep.astype(ce.dtype))
    N = jnp.maximum(num_pos.sum(), 1).astype(loss_l.dtype)
    return (loss_l / N, loss_c / N)

if __name__ == "__main__":
    import jax
    _d = setup_inputs()
    print(jax.jit(kernel)(*tuple(_d.values())))

</pallas_src>

<mosaic_0001>
module attributes {stable_mosaic.version = 14 : i64} {
  func.func @_mbl_kernel(%arg0: i32, %arg1: memref<4x8732xf32, #tpu.memory_space<vmem>>, %arg2: memref<1x32x4xf32, #tpu.memory_space<vmem>>, %arg3: memref<1x32x1xf32, #tpu.memory_space<vmem>>, %arg4: memref<1x4x8732xf32, #tpu.memory_space<vmem>>, %arg5: memref<1x81x8732xbf16, #tpu.memory_space<vmem>>, %arg6: memref<1x1xf32, #tpu.memory_space<vmem>>, %arg7: memref<1x1xf32, #tpu.memory_space<vmem>>, %arg8: memref<32x8732xf32, #tpu.memory_space<vmem>>, %arg9: memref<32x3xf32, #tpu.memory_space<vmem>>) attributes {dimension_semantics = [#tpu.dimension_semantics<arbitrary>], iteration_bounds = array<i64: 32>, scalar_prefetch = 0 : i64, scratch_operands = 2 : i64, tpu.core_type = #tpu.core_type<tc>, window_params = [{pipeline_mode = #tpu.pipeline_mode<synchronous>, transform_indices = @transform_0, window_bounds = array<i64: 4, 8732>}, {transform_indices = @transform_1, window_bounds = array<i64: 1, 32, 4>}, {transform_indices = @transform_2, window_bounds = array<i64: 1, 32, 1>}, {transform_indices = @transform_3, window_bounds = array<i64: 1, 4, 8732>}, {transform_indices = @transform_4, window_bounds = array<i64: 1, 81, 8732>}, {pipeline_mode = #tpu.pipeline_mode<synchronous>, transform_indices = @transform_5, window_bounds = array<i64: 1, 1>}, {pipeline_mode = #tpu.pipeline_mode<synchronous>, transform_indices = @transform_6, window_bounds = array<i64: 1, 1>}]} {
    %get3A = arith.constant 0 : index
    %get3A_0 = arith.constant 0 : index
    %get3A_1 = arith.constant 0 : index
    %get3A_2 = vector.load %arg2[%get3A, %get3A_0, %get3A_1] : memref<1x32x4xf32, #tpu.memory_space<vmem>>, vector<1x32x4xf32>
    %get3A_3 = vector.shape_cast %get3A_2 : vector<1x32x4xf32> to vector<32x4xf32>
    %get3A_4 = arith.constant 0 : index
    %get3A_5 = arith.constant 0 : index
    %get3A_6 = arith.constant 0 : index
    %get3A_7 = vector.load %arg3[%get3A_4, %get3A_5, %get3A_6] : memref<1x32x1xf32, #tpu.memory_space<vmem>>, vector<1x32x1xf32>
    %get3A_8 = vector.shape_cast %get3A_7 : vector<1x32x1xf32> to vector<32x1xf32>
    %get3A_9 = arith.constant 0 : index
    %get3A_10 = arith.constant 0 : index
    %get3A_11 = vector.load %arg1[%get3A_9, %get3A_10] : memref<4x8732xf32, #tpu.memory_space<vmem>>, vector<4x8732xf32>
    %slice3A = vector.extract_strided_slice %get3A_11 {offsets = [0, 0], sizes = [1, 8732], strides = [1, 1]} : vector<4x8732xf32> to vector<1x8732xf32>
    %slice3A_12 = vector.extract_strided_slice %get3A_11 {offsets = [1, 0], sizes = [1, 8732], strides = [1, 1]} : vector<4x8732xf32> to vector<1x8732xf32>
    %slice3A_13 = vector.extract_strided_slice %get3A_11 {offsets = [2, 0], sizes = [1, 8732], strides = [1, 1]} : vector<4x8732xf32> to vector<1x8732xf32>
    %slice3A_14 = vector.extract_strided_slice %get3A_11 {offsets = [3, 0], sizes = [1, 8732], strides = [1, 1]} : vector<4x8732xf32> to vector<1x8732xf32>
    %slice3A_15 = vector.extract_strided_slice %get3A_3 {offsets = [0, 0], sizes = [32, 1], strides = [1, 1]} : vector<32x4xf32> to vector<32x1xf32>
    %slice3A_16 = vector.extract_strided_slice %get3A_3 {offsets = [0, 1], sizes = [32, 1], strides = [1, 1]} : vector<32x4xf32> to vector<32x1xf32>
    %slice3A_17 = vector.extract_strided_slice %get3A_3 {offsets = [0, 2], sizes = [32, 1], strides = [1, 1]} : vector<32x4xf32> to vector<32x1xf32>
    %slice3A_18 = vector.extract_strided_slice %get3A_3 {offsets = [0, 3], sizes = [32, 1], strides = [1, 1]} : vector<32x4xf32> to vector<32x1xf32>
    %min3A = vector.broadcast %slice3A_17 : vector<32x1xf32> to vector<32x8732xf32>
    %min3A_19 = vector.broadcast %slice3A_13 : vector<1x8732xf32> to vector<32x8732xf32>
    %min3A_20 = arith.minimumf %min3A, %min3A_19 : vector<32x8732xf32>
    %max3A = vector.broadcast %slice3A_15 : vector<32x1xf32> to vector<32x8732xf32>
    %max3A_21 = vector.broadcast %slice3A : vector<1x8732xf32> to vector<32x8732xf32>
    %max3A_22 = arith.maximumf %max3A, %max3A_21 : vector<32x8732xf32>
    %sub3A = arith.subf %min3A_20, %max3A_22 : vector<32x8732xf32>
    %max3A_23 = arith.constant 0.000000e+00 : f32
    %max3A_24 = vector.broadcast %max3A_23 : f32 to vector<32x8732xf32>
    %max3A_25 = arith.maximumf %sub3A, %max3A_24 : vector<32x8732xf32>
    %min3A_26 = vector.broadcast %slice3A_18 : vector<32x1xf32> to vector<32x8732xf32>
    %min3A_27 = vector.broadcast %slice3A_14 : vector<1x8732xf32> to vector<32x8732xf32>
    %min3A_28 = arith.minimumf %min3A_26, %min3A_27 : vector<32x8732xf32>
    %max3A_29 = vector.broadcast %slice3A_16 : vector<32x1xf32> to vector<32x8732xf32>
    %max3A_30 = vector.broadcast %slice3A_12 : vector<1x8732xf32> to vector<32x8732xf32>
    %max3A_31 = arith.maximumf %max3A_29, %max3A_30 : vector<32x8732xf32>
    %sub3A_32 = arith.subf %min3A_28, %max3A_31 : vector<32x8732xf32>
    %max3A_33 = arith.constant 0.000000e+00 : f32
    %max3A_34 = vector.broadcast %max3A_33 : f32 to vector<32x8732xf32>
    %max3A_35 = arith.maximumf %sub3A_32, %max3A_34 : vector<32x8732xf32>
    %mul3A = arith.mulf %max3A_25, %max3A_35 : vector<32x8732xf32>
    %sub3A_36 = arith.subf %slice3A_17, %slice3A_15 : vector<32x1xf32>
    %sub3A_37 = arith.subf %slice3A_18, %slice3A_16 : vector<32x1xf32>
    %mul3A_38 = arith.mulf %sub3A_36, %sub3A_37 : vector<32x1xf32>
    %sub3A_39 = arith.subf %slice3A_13, %slice3A : vector<1x8732xf32>
    %sub3A_40 = arith.subf %slice3A_14, %slice3A_12 : vector<1x8732xf32>
    %mul3A_41 = arith.mulf %sub3A_39, %sub3A_40 : vector<1x8732xf32>
    %add3A = vector.broadcast %mul3A_38 : vector<32x1xf32> to vector<32x8732xf32>
    %add3A_42 = vector.broadcast %mul3A_41 : vector<1x8732xf32> to vector<32x8732xf32>
    %add3A_43 = arith.addf %add3A, %add3A_42 : vector<32x8732xf32>
    %sub3A_44 = arith.subf %add3A_43, %mul3A : vector<32x8732xf32>
    %div3A = arith.divf %mul3A, %sub3A_44 : vector<32x8732xf32>
    %reduce_max3A = arith.constant dense<0xFF800000> : vector<8732xf32>
    %reduce_max3A_45 = vector.multi_reduction <maximumf>, %div3A, %reduce_max3A [0] : vector<32x8732xf32> to vector<8732xf32>
    %broadcast_in_dim3A = vector.shape_cast %reduce_max3A_45 : vector<8732xf32> to vector<1x8732xf32>
    %iota3A = tpu.iota {dimensions = array<i32: 0>} : vector<32x8732xi32>
    %eq3A = vector.broadcast %broadcast_in_dim3A : vector<1x8732xf32> to vector<32x8732xf32>
    %eq3A_46 = arith.cmpf oeq, %div3A, %eq3A : vector<32x8732xf32>
    %jit3A = arith.constant 32 : i32
    %broadcast_in_dim3A_47 = vector.broadcast %jit3A : i32 to vector<32x8732xi32>
    %select_n3A = arith.select %eq3A_46, %iota3A, %broadcast_in_dim3A_47 : vector<32x8732xi1>, vector<32x8732xi32>
    %reduce_min3A = arith.constant dense<2147483647> : vector<8732xi32>
    %reduce_min3A_48 = vector.multi_reduction <minsi>, %select_n3A, %reduce_min3A [0] : vector<32x8732xi32> to vector<8732xi32>
    %broadcast_in_dim3A_49 = vector.shape_cast %reduce_min3A_48 : vector<8732xi32> to vector<1x8732xi32>
    %eq3A_50 = vector.broadcast %broadcast_in_dim3A_49 : vector<1x8732xi32> to vector<32x8732xi32>
    %eq3A_51 = arith.cmpi eq, %iota3A, %eq3A_50 : vector<32x8732xi32>
    %ge3A = arith.constant 5.000000e-01 : f32
    %ge3A_52 = vector.broadcast %ge3A : f32 to vector<1x8732xf32>
    %ge3A_53 = arith.cmpf oge, %broadcast_in_dim3A, %ge3A_52 : vector<1x8732xf32>
    %concatenate3A = tpu.concatenate %get3A_3, %get3A_8 in 1 : vector<32x4xf32>, vector<32x1xf32> -> vector<32x5xf32>
    %transpose3A = tpu.transpose %concatenate3A, [1, 0] : vector<32x5xf32> -> vector<5x32xf32>
    %convert_element_type3A = arith.extui %eq3A_51 : vector<32x8732xi1> to vector<32x8732xi32>
    %convert_element_type3A_54 = arith.sitofp %convert_element_type3A : vector<32x8732xi32> to vector<32x8732xf32>
    %dot_general3A = arith.constant dense<0.000000e+00> : vector<5x8732xf32>
    %dot_general3A_55 = tpu.matmul %transpose3A, %convert_element_type3A_54, %dot_general3A {dimension_numbers = #tpu.dot_dimension_numbers<[1], [0], [0], [1], [0, 0, 1, 1], [], []>, precision = #tpu.contract_precision<fp32>, transpose_lhs_hint = false} : vector<5x32xf32>, vector<32x8732xf32>, vector<5x8732xf32> -> vector<5x8732xf32>
    %slice3A_56 = vector.extract_strided_slice %dot_general3A_55 {offsets = [0, 0], sizes = [1, 8732], strides = [1, 1]} : vector<5x8732xf32> to vector<1x8732xf32>
    %slice3A_57 = vector.extract_strided_slice %dot_general3A_55 {offsets = [1, 0], sizes = [1, 8732], strides = [1, 1]} : vector<5x8732xf32> to vector<1x8732xf32>
    %slice3A_58 = vector.extract_strided_slice %dot_general3A_55 {offsets = [2, 0], sizes = [1, 8732], strides = [1, 1]} : vector<5x8732xf32> to vector<1x8732xf32>
    %slice3A_59 = vector.extract_strided_slice %dot_general3A_55 {offsets = [3, 0], sizes = [1, 8732], strides = [1, 1]} : vector<5x8732xf32> to vector<1x8732xf32>
    %slice3A_60 = vector.extract_strided_slice %dot_general3A_55 {offsets = [4, 0], sizes = [1, 8732], strides = [1, 1]} : vector<5x8732xf32> to vector<1x8732xf32>
    %sub3A_61 = arith.subf %slice3A_13, %slice3A : vector<1x8732xf32>
    %sub3A_62 = arith.subf %slice3A_14, %slice3A_12 : vector<1x8732xf32>
    %add3A_63 = arith.addf %slice3A_56, %slice3A_58 : vector<1x8732xf32>
    %mul3A_64 = arith.constant 5.000000e-01 : f32
    %mul3A_65 = vector.broadcast %mul3A_64 : f32 to vector<1x8732xf32>
    %mul3A_66 = arith.mulf %add3A_63, %mul3A_65 : vector<1x8732xf32>
    %add3A_67 = arith.addf %slice3A, %slice3A_13 : vector<1x8732xf32>
    %mul3A_68 = arith.constant 5.000000e-01 : f32
    %mul3A_69 = vector.broadcast %mul3A_68 : f32 to vector<1x8732xf32>
    %mul3A_70 = arith.mulf %add3A_67, %mul3A_69 : vector<1x8732xf32>
    %sub3A_71 = arith.subf %mul3A_66, %mul3A_70 : vector<1x8732xf32>
    %mul3A_72 = arith.constant 1.000000e+01 : f32
    %mul3A_73 = vector.broadcast %mul3A_72 : f32 to vector<1x8732xf32>
    %mul3A_74 = arith.mulf %sub3A_71, %mul3A_73 : vector<1x8732xf32>
    %div3A_75 = arith.divf %mul3A_74, %sub3A_61 : vector<1x8732xf32>
    %add3A_76 = arith.addf %slice3A_57, %slice3A_59 : vector<1x8732xf32>
    %mul3A_77 = arith.constant 5.000000e-01 : f32
    %mul3A_78 = vector.broadcast %mul3A_77 : f32 to vector<1x8732xf32>
    %mul3A_79 = arith.mulf %add3A_76, %mul3A_78 : vector<1x8732xf32>
    %add3A_80 = arith.addf %slice3A_12, %slice3A_14 : vector<1x8732xf32>
    %mul3A_81 = arith.constant 5.000000e-01 : f32
    %mul3A_82 = vector.broadcast %mul3A_81 : f32 to vector<1x8732xf32>
    %mul3A_83 = arith.mulf %add3A_80, %mul3A_82 : vector<1x8732xf32>
    %sub3A_84 = arith.subf %mul3A_79, %mul3A_83 : vector<1x8732xf32>
    %mul3A_85 = arith.constant 1.000000e+01 : f32
    %mul3A_86 = vector.broadcast %mul3A_85 : f32 to vector<1x8732xf32>
    %mul3A_87 = arith.mulf %sub3A_84, %mul3A_86 : vector<1x8732xf32>
    %div3A_88 = arith.divf %mul3A_87, %sub3A_62 : vector<1x8732xf32>
    %sub3A_89 = arith.subf %slice3A_58, %slice3A_56 : vector<1x8732xf32>
    %div3A_90 = arith.divf %sub3A_89, %sub3A_61 : vector<1x8732xf32>
    %log3A = math.log %div3A_90 : vector<1x8732xf32>
    %mul3A_91 = arith.constant 5.000000e+00 : f32
    %mul3A_92 = vector.broadcast %mul3A_91 : f32 to vector<1x8732xf32>
    %mul3A_93 = arith.mulf %log3A, %mul3A_92 : vector<1x8732xf32>
    %sub3A_94 = arith.subf %slice3A_59, %slice3A_57 : vector<1x8732xf32>
    %div3A_95 = arith.divf %sub3A_94, %sub3A_62 : vector<1x8732xf32>
    %log3A_96 = math.log %div3A_95 : vector<1x8732xf32>
    %mul3A_97 = arith.constant 5.000000e+00 : f32
    %mul3A_98 = vector.broadcast %mul3A_97 : f32 to vector<1x8732xf32>
    %mul3A_99 = arith.mulf %log3A_96, %mul3A_98 : vector<1x8732xf32>
    %get3A_100 = arith.constant 0 : index
    %get3A_101 = arith.constant 0 : index
    %get3A_102 = arith.constant 0 : index
    %get3A_103 = vector.load %arg4[%get3A_100, %get3A_101, %get3A_102] : memref<1x4x8732xf32, #tpu.memory_space<vmem>>, vector<1x4x8732xf32>
    %get3A_104 = vector.shape_cast %get3A_103 : vector<1x4x8732xf32> to vector<4x8732xf32>
    %broadcast_in_dim3A_105 = arith.constant 0.000000e+00 : f32
    %broadcast_in_dim3A_106 = vector.broadcast %broadcast_in_dim3A_105 : f32 to vector<1x1xf32>
    %slice3A_107 = vector.extract_strided_slice %get3A_104 {offsets = [0, 0], sizes = [1, 8732], strides = [1, 1]} : vector<4x8732xf32> to vector<1x8732xf32>
    %sub3A_108 = arith.subf %slice3A_107, %div3A_75 : vector<1x8732xf32>
    %abs3A = math.absf %sub3A_108 : vector<1x8732xf32>
    %lt3A = arith.constant 1.000000e+00 : f32
    %lt3A_109 = vector.broadcast %lt3A : f32 to vector<1x8732xf32>
    %lt3A_110 = arith.cmpf olt, %abs3A, %lt3A_109 : vector<1x8732xf32>
    %mul3A_111 = arith.constant 5.000000e-01 : f32
    %mul3A_112 = vector.broadcast %mul3A_111 : f32 to vector<1x8732xf32>
    %mul3A_113 = arith.mulf %mul3A_112, %sub3A_108 : vector<1x8732xf32>
    %mul3A_114 = arith.mulf %mul3A_113, %sub3A_108 : vector<1x8732xf32>
    %sub3A_115 = arith.constant 5.000000e-01 : f32
    %sub3A_116 = vector.broadcast %sub3A_115 : f32 to vector<1x8732xf32>
    %sub3A_117 = arith.subf %abs3A, %sub3A_116 : vector<1x8732xf32>
    %select_n3A_118 = arith.select %lt3A_110, %mul3A_114, %sub3A_117 : vector<1x8732xi1>, vector<1x8732xf32>
    %jit3A_119 = arith.constant 0.000000e+00 : f32
    %broadcast_in_dim3A_120 = vector.broadcast %jit3A_119 : f32 to vector<1x8732xf32>
    %select_n3A_121 = arith.select %ge3A_53, %select_n3A_118, %broadcast_in_dim3A_120 : vector<1x8732xi1>, vector<1x8732xf32>
    %reduce_sum3A = vector.shape_cast %select_n3A_121 : vector<1x8732xf32> to vector<1x1x8732xf32>
    %reduce_sum3A_122 = arith.constant dense<0.000000e+00> : vector<1xf32>
    %reduce_sum3A_123 = vector.multi_reduction <add>, %reduce_sum3A, %reduce_sum3A_122 [1, 2] : vector<1x1x8732xf32> to vector<1xf32>
    %reduce_sum3A_124 = vector.shape_cast %reduce_sum3A_123 : vector<1xf32> to vector<1x1x1xf32>
    %reduce_sum3A_125 = vector.extract %reduce_sum3A_124[0, 0, 0] : f32 from vector<1x1x1xf32>
    %broadcast_in_dim3A_126 = vector.broadcast %reduce_sum3A_125 : f32 to vector<1x1xf32>
    %add3A_127 = arith.addf %broadcast_in_dim3A_106, %broadcast_in_dim3A_126 : vector<1x1xf32>
    %slice3A_128 = vector.extract_strided_slice %get3A_104 {offsets = [1, 0], sizes = [1, 8732], strides = [1, 1]} : vector<4x8732xf32> to vector<1x8732xf32>
    %sub3A_129 = arith.subf %slice3A_128, %div3A_88 : vector<1x8732xf32>
    %abs3A_130 = math.absf %sub3A_129 : vector<1x8732xf32>
    %lt3A_131 = arith.constant 1.000000e+00 : f32
    %lt3A_132 = vector.broadcast %lt3A_131 : f32 to vector<1x8732xf32>
    %lt3A_133 = arith.cmpf olt, %abs3A_130, %lt3A_132 : vector<1x8732xf32>
    %mul3A_134 = arith.constant 5.000000e-01 : f32
    %mul3A_135 = vector.broadcast %mul3A_134 : f32 to vector<1x8732xf32>
    %mul3A_136 = arith.mulf %mul3A_135, %sub3A_129 : vector<1x8732xf32>
    %mul3A_137 = arith.mulf %mul3A_136, %sub3A_129 : vector<1x8732xf32>
    %sub3A_138 = arith.constant 5.000000e-01 : f32
    %sub3A_139 = vector.broadcast %sub3A_138 : f32 to vector<1x8732xf32>
    %sub3A_140 = arith.subf %abs3A_130, %sub3A_139 : vector<1x8732xf32>
    %select_n3A_141 = arith.select %lt3A_133, %mul3A_137, %sub3A_140 : vector<1x8732xi1>, vector<1x8732xf32>
    %jit3A_142 = arith.constant 0.000000e+00 : f32
    %broadcast_in_dim3A_143 = vector.broadcast %jit3A_142 : f32 to vector<1x8732xf32>
    %select_n3A_144 = arith.select %ge3A_53, %select_n3A_141, %broadcast_in_dim3A_143 : vector<1x8732xi1>, vector<1x8732xf32>
    %reduce_sum3A_145 = vector.shape_cast %select_n3A_144 : vector<1x8732xf32> to vector<1x1x8732xf32>
    %reduce_sum3A_146 = arith.constant dense<0.000000e+00> : vector<1xf32>
    %reduce_sum3A_147 = vector.multi_reduction <add>, %reduce_sum3A_145, %reduce_sum3A_146 [1, 2] : vector<1x1x8732xf32> to vector<1xf32>
    %reduce_sum3A_148 = vector.shape_cast %reduce_sum3A_147 : vector<1xf32> to vector<1x1x1xf32>
    %reduce_sum3A_149 = vector.extract %reduce_sum3A_148[0, 0, 0] : f32 from vector<1x1x1xf32>
    %broadcast_in_dim3A_150 = vector.broadcast %reduce_sum3A_149 : f32 to vector<1x1xf32>
    %add3A_151 = arith.addf %add3A_127, %broadcast_in_dim3A_150 : vector<1x1xf32>
    %slice3A_152 = vector.extract_strided_slice %get3A_104 {offsets = [2, 0], sizes = [1, 8732], strides = [1, 1]} : vector<4x8732xf32> to vector<1x8732xf32>
    %sub3A_153 = arith.subf %slice3A_152, %mul3A_93 : vector<1x8732xf32>
    %abs3A_154 = math.absf %sub3A_153 : vector<1x8732xf32>
    %lt3A_155 = arith.constant 1.000000e+00 : f32
    %lt3A_156 = vector.broadcast %lt3A_155 : f32 to vector<1x8732xf32>
    %lt3A_157 = arith.cmpf olt, %abs3A_154, %lt3A_156 : vector<1x8732xf32>
    %mul3A_158 = arith.constant 5.000000e-01 : f32
    %mul3A_159 = vector.broadcast %mul3A_158 : f32 to vector<1x8732xf32>
    %mul3A_160 = arith.mulf %mul3A_159, %sub3A_153 : vector<1x8732xf32>
    %mul3A_161 = arith.mulf %mul3A_160, %sub3A_153 : vector<1x8732xf32>
    %sub3A_162 = arith.constant 5.000000e-01 : f32
    %sub3A_163 = vector.broadcast %sub3A_162 : f32 to vector<1x8732xf32>
    %sub3A_164 = arith.subf %abs3A_154, %sub3A_163 : vector<1x8732xf32>
    %select_n3A_165 = arith.select %lt3A_157, %mul3A_161, %sub3A_164 : vector<1x8732xi1>, vector<1x8732xf32>
    %jit3A_166 = arith.constant 0.000000e+00 : f32
    %broadcast_in_dim3A_167 = vector.broadcast %jit3A_166 : f32 to vector<1x8732xf32>
    %select_n3A_168 = arith.select %ge3A_53, %select_n3A_165, %broadcast_in_dim3A_167 : vector<1x8732xi1>, vector<1x8732xf32>
    %reduce_sum3A_169 = vector.shape_cast %select_n3A_168 : vector<1x8732xf32> to vector<1x1x8732xf32>
    %reduce_sum3A_170 = arith.constant dense<0.000000e+00> : vector<1xf32>
    %reduce_sum3A_171 = vector.multi_reduction <add>, %reduce_sum3A_169, %reduce_sum3A_170 [1, 2] : vector<1x1x8732xf32> to vector<1xf32>
    %reduce_sum3A_172 = vector.shape_cast %reduce_sum3A_171 : vector<1xf32> to vector<1x1x1xf32>
    %reduce_sum3A_173 = vector.extract %reduce_sum3A_172[0, 0, 0] : f32 from vector<1x1x1xf32>
    %broadcast_in_dim3A_174 = vector.broadcast %reduce_sum3A_173 : f32 to vector<1x1xf32>
    %add3A_175 = arith.addf %add3A_151, %broadcast_in_dim3A_174 : vector<1x1xf32>
    %slice3A_176 = vector.extract_strided_slice %get3A_104 {offsets = [3, 0], sizes = [1, 8732], strides = [1, 1]} : vector<4x8732xf32> to vector<1x8732xf32>
    %sub3A_177 = arith.subf %slice3A_176, %mul3A_99 : vector<1x8732xf32>
    %abs3A_178 = math.absf %sub3A_177 : vector<1x8732xf32>
    %lt3A_179 = arith.constant 1.000000e+00 : f32
    %lt3A_180 = vector.broadcast %lt3A_179 : f32 to vector<1x8732xf32>
    %lt3A_181 = arith.cmpf olt, %abs3A_178, %lt3A_180 : vector<1x8732xf32>
    %mul3A_182 = arith.constant 5.000000e-01 : f32
    %mul3A_183 = vector.broadcast %mul3A_182 : f32 to vector<1x8732xf32>
    %mul3A_184 = arith.mulf %mul3A_183, %sub3A_177 : vector<1x8732xf32>
    %mul3A_185 = arith.mulf %mul3A_184, %sub3A_177 : vector<1x8732xf32>
    %sub3A_186 = arith.constant 5.000000e-01 : f32
    %sub3A_187 = vector.broadcast %sub3A_186 : f32 to vector<1x8732xf32>
    %sub3A_188 = arith.subf %abs3A_178, %sub3A_187 : vector<1x8732xf32>
    %select_n3A_189 = arith.select %lt3A_181, %mul3A_185, %sub3A_188 : vector<1x8732xi1>, vector<1x8732xf32>
    %jit3A_190 = arith.constant 0.000000e+00 : f32
    %broadcast_in_dim3A_191 = vector.broadcast %jit3A_190 : f32 to vector<1x8732xf32>
    %select_n3A_192 = arith.select %ge3A_53, %select_n3A_189, %broadcast_in_dim3A_191 : vector<1x8732xi1>, vector<1x8732xf32>
    %reduce_sum3A_193 = vector.shape_cast %select_n3A_192 : vector<1x8732xf32> to vector<1x1x8732xf32>
    %reduce_sum3A_194 = arith.constant dense<0.000000e+00> : vector<1xf32>
    %reduce_sum3A_195 = vector.multi_reduction <add>, %reduce_sum3A_193, %reduce_sum3A_194 [1, 2] : vector<1x1x8732xf32> to vector<1xf32>
    %reduce_sum3A_196 = vector.shape_cast %reduce_sum3A_195 : vector<1xf32> to vector<1x1x1xf32>
    %reduce_sum3A_197 = vector.extract %reduce_sum3A_196[0, 0, 0] : f32 from vector<1x1x1xf32>
    %broadcast_in_dim3A_198 = vector.broadcast %reduce_sum3A_197 : f32 to vector<1x1xf32>
    %add3A_199 = arith.addf %add3A_175, %broadcast_in_dim3A_198 : vector<1x1xf32>
    %get3A_200 = arith.constant 0 : index
    %get3A_201 = arith.constant 0 : index
    %get3A_202 = arith.constant 0 : index
    %get3A_203 = vector.load %arg5[%get3A_200, %get3A_201, %get3A_202] : memref<1x81x8732xbf16, #tpu.memory_space<vmem>>, vector<1x81x8732xbf16>
    %get3A_204 = vector.shape_cast %get3A_203 : vector<1x81x8732xbf16> to vector<81x8732xbf16>
    %convert_element_type3A_205 = arith.extf %get3A_204 : vector<81x8732xbf16> to vector<81x8732xf32>
    %exp3A = math.exp %convert_element_type3A_205 : vector<81x8732xf32>
    %reduce_sum3A_206 = arith.constant dense<0.000000e+00> : vector<8732xf32>
    %reduce_sum3A_207 = vector.multi_reduction <add>, %exp3A, %reduce_sum3A_206 [0] : vector<81x8732xf32> to vector<8732xf32>
    %broadcast_in_dim3A_208 = vector.shape_cast %reduce_sum3A_207 : vector<8732xf32> to vector<1x8732xf32>
    %log3A_209 = math.log %broadcast_in_dim3A_208 : vector<1x8732xf32>
    %jit3A_210 = arith.constant 0.000000e+00 : f32
    %broadcast_in_dim3A_211 = vector.broadcast %jit3A_210 : f32 to vector<1x8732xf32>
    %select_n3A_212 = arith.select %ge3A_53, %slice3A_60, %broadcast_in_dim3A_211 : vector<1x8732xi1>, vector<1x8732xf32>
    %convert_element_type3A_213 = arith.fptosi %select_n3A_212 : vector<1x8732xf32> to vector<1x8732xi32>
    %iota3A_214 = tpu.iota {dimensions = array<i32: 0>} : vector<81x8732xi32>
    %eq3A_215 = vector.broadcast %convert_element_type3A_213 : vector<1x8732xi32> to vector<81x8732xi32>
    %eq3A_216 = arith.cmpi eq, %iota3A_214, %eq3A_215 : vector<81x8732xi32>
    %jit3A_217 = arith.constant 0.000000e+00 : f32
    %broadcast_in_dim3A_218 = vector.broadcast %jit3A_217 : f32 to vector<81x8732xf32>
    %select_n3A_219 = arith.select %eq3A_216, %convert_element_type3A_205, %broadcast_in_dim3A_218 : vector<81x8732xi1>, vector<81x8732xf32>
    %reduce_sum3A_220 = arith.constant dense<0.000000e+00> : vector<8732xf32>
    %reduce_sum3A_221 = vector.multi_reduction <add>, %select_n3A_219, %reduce_sum3A_220 [0] : vector<81x8732xf32> to vector<8732xf32>
    %broadcast_in_dim3A_222 = vector.shape_cast %reduce_sum3A_221 : vector<8732xf32> to vector<1x8732xf32>
    %sub3A_223 = arith.subf %log3A_209, %broadcast_in_dim3A_222 : vector<1x8732xf32>
    %jit3A_224 = arith.constant 0.000000e+00 : f32
    %broadcast_in_dim3A_225 = vector.broadcast %jit3A_224 : f32 to vector<1x8732xf32>
    %select_n3A_226 = arith.select %ge3A_53, %sub3A_223, %broadcast_in_dim3A_225 : vector<1x8732xi1>, vector<1x8732xf32>
    %reduce_sum3A_227 = vector.shape_cast %select_n3A_226 : vector<1x8732xf32> to vector<1x1x8732xf32>
    %reduce_sum3A_228 = arith.constant dense<0.000000e+00> : vector<1xf32>
    %reduce_sum3A_229 = vector.multi_reduction <add>, %reduce_sum3A_227, %reduce_sum3A_228 [1, 2] : vector<1x1x8732xf32> to vector<1xf32>
    %reduce_sum3A_230 = vector.shape_cast %reduce_sum3A_229 : vector<1xf32> to vector<1x1x1xf32>
    %reduce_sum3A_231 = vector.extract %reduce_sum3A_230[0, 0, 0] : f32 from vector<1x1x1xf32>
    %broadcast_in_dim3A_232 = vector.broadcast %reduce_sum3A_231 : f32 to vector<1x1xf32>
    %convert_element_type3A_233 = arith.extui %ge3A_53 : vector<1x8732xi1> to vector<1x8732xi32>
    %convert_element_type3A_234 = arith.sitofp %convert_element_type3A_233 : vector<1x8732xi32> to vector<1x8732xf32>
    %reduce_sum3A_235 = vector.shape_cast %convert_element_type3A_234 : vector<1x8732xf32> to vector<1x1x8732xf32>
    %reduce_sum3A_236 = arith.constant dense<0.000000e+00> : vector<1xf32>
    %reduce_sum3A_237 = vector.multi_reduction <add>, %reduce_sum3A_235, %reduce_sum3A_236 [1, 2] : vector<1x1x8732xf32> to vector<1xf32>
    %reduce_sum3A_238 = vector.shape_cast %reduce_sum3A_237 : vector<1xf32> to vector<1x1x1xf32>
    %reduce_sum3A_239 = vector.extract %reduce_sum3A_238[0, 0, 0] : f32 from vector<1x1x1xf32>
    %broadcast_in_dim3A_240 = vector.broadcast %reduce_sum3A_239 : f32 to vector<1x1xf32>
    %jit3A_241 = arith.constant 0.000000e+00 : f32
    %broadcast_in_dim3A_242 = vector.broadcast %jit3A_241 : f32 to vector<1x8732xf32>
    %select_n3A_243 = arith.select %ge3A_53, %broadcast_in_dim3A_242, %sub3A_223 : vector<1x8732xi1>, vector<1x8732xf32>
    %concatenate3A_244 = tpu.concatenate %broadcast_in_dim3A_240, %add3A_199, %broadcast_in_dim3A_232 in 1 : vector<1x1xf32>, vector<1x1xf32>, vector<1x1xf32> -> vector<1x3xf32>
    %swap3A = arith.index_cast %arg0 : i32 to index
    %swap3A_245 = arith.constant 0 : index
    %swap3A_246 = vector.load %arg8[%swap3A, %swap3A_245] : memref<32x8732xf32, #tpu.memory_space<vmem>>, vector<1x8732xf32>
    tpu.vector_store %arg8[%swap3A, %swap3A_245], %select_n3A_243 {strides = array<i32>} : memref<32x8732xf32, #tpu.memory_space<vmem>>, vector<1x8732xf32>,
    %swap3A_247 = arith.index_cast %arg0 : i32 to index
    %swap3A_248 = arith.constant 0 : index
    %swap3A_249 = vector.load %arg9[%swap3A_247, %swap3A_248] : memref<32x3xf32, #tpu.memory_space<vmem>>, vector<1x3xf32>
    tpu.vector_store %arg9[%swap3A_247, %swap3A_248], %concatenate3A_244 {strides = array<i32>} : memref<32x3xf32, #tpu.memory_space<vmem>>, vector<1x3xf32>,
    %eq3A_250 = arith.constant 31 : i32
    %eq3A_251 = arith.cmpi eq, %arg0, %eq3A_250 : i32
    %convert_element_type3A_252 = arith.extui %eq3A_251 : i1 to i32
    %cond3A = arith.constant 0 : i32
    %cond3A_253 = arith.cmpi ne, %convert_element_type3A_252, %cond3A : i32
    scf.if %cond3A_253 {
      %get3A_254 = arith.constant 0 : index
      %get3A_255 = arith.constant 0 : index
      %get3A_256 = vector.load %arg8[%get3A_254, %get3A_255] : memref<32x8732xf32, #tpu.memory_space<vmem>>, vector<32x8732xf32>
      %get3A_257 = arith.constant 0 : index
      %get3A_258 = arith.constant 0 : index
      %get3A_259 = vector.load %arg9[%get3A_257, %get3A_258] : memref<32x3xf32, #tpu.memory_space<vmem>>, vector<32x3xf32>
      %slice3A_260 = vector.extract_strided_slice %get3A_259 {offsets = [0, 0], sizes = [32, 1], strides = [1, 1]} : vector<32x3xf32> to vector<32x1xf32>
      %mul3A_261 = arith.constant 3.000000e+00 : f32
      %mul3A_262 = vector.broadcast %mul3A_261 : f32 to vector<32x1xf32>
      %mul3A_263 = arith.mulf %slice3A_260, %mul3A_262 : vector<32x1xf32>
      %min3A_264 = arith.constant 8.732000e+03 : f32
      %min3A_265 = vector.broadcast %min3A_264 : f32 to vector<32x1xf32>
      %min3A_266 = arith.minimumf %mul3A_263, %min3A_265 : vector<32x1xf32>
      %reduce_max3A_267 = arith.constant dense<0xFF800000> : vector<32xf32>
      %reduce_max3A_268 = vector.multi_reduction <maximumf>, %get3A_256, %reduce_max3A_267 [1] : vector<32x8732xf32> to vector<32xf32>
      %broadcast_in_dim3A_269 = vector.shape_cast %reduce_max3A_268 : vector<32xf32> to vector<32x1xf32>
      %broadcast_in_dim3A_270 = arith.constant 0.000000e+00 : f32
      %broadcast_in_dim3A_271 = vector.broadcast %broadcast_in_dim3A_270 : f32 to vector<32x1xf32>
      %scan3A = arith.constant 0 : i32
      %scan3A_272 = arith.constant 30 : i32
      %scan3A_273 = arith.addi %scan3A, %scan3A_272 : i32
      %scan3A_274 = arith.constant 1 : i32
      %scan3A_275:2 = scf.for %scan3A_330 = %scan3A to %scan3A_273 step %scan3A_274 iter_args(%scan3A_331 = %broadcast_in_dim3A_271, %scan3A_332 = %broadcast_in_dim3A_269) -> (vector<32x1xf32>, vector<32x1xf32>)  : i32 {
        %add3A_333 = arith.addf %scan3A_331, %scan3A_332 : vector<32x1xf32>
        %mul3A_334 = arith.constant 5.000000e-01 : f32
        %mul3A_335 = vector.broadcast %mul3A_334 : f32 to vector<32x1xf32>
        %mul3A_336 = arith.mulf %mul3A_335, %add3A_333 : vector<32x1xf32>
        %gt3A_337 = vector.broadcast %mul3A_336 : vector<32x1xf32> to vector<32x8732xf32>
        %gt3A_338 = arith.cmpf ogt, %get3A_256, %gt3A_337 : vector<32x8732xf32>
        %convert_element_type3A_339 = arith.extui %gt3A_338 : vector<32x8732xi1> to vector<32x8732xi32>
        %convert_element_type3A_340 = arith.sitofp %convert_element_type3A_339 : vector<32x8732xi32> to vector<32x8732xf32>
        %reduce_sum3A_341 = arith.constant dense<0.000000e+00> : vector<32xf32>
        %reduce_sum3A_342 = vector.multi_reduction <add>, %convert_element_type3A_340, %reduce_sum3A_341 [1] : vector<32x8732xf32> to vector<32xf32>
        %broadcast_in_dim3A_343 = vector.shape_cast %reduce_sum3A_342 : vector<32xf32> to vector<32x1xf32>
        %ge3A_344 = arith.cmpf oge, %broadcast_in_dim3A_343, %min3A_266 : vector<32x1xf32>
        %select_n3A_345 = arith.select %ge3A_344, %mul3A_336, %scan3A_331 : vector<32x1xi1>, vector<32x1xf32>
        %select_n3A_346 = arith.select %ge3A_344, %scan3A_332, %mul3A_336 : vector<32x1xi1>, vector<32x1xf32>
        scf.yield %select_n3A_345, %select_n3A_346 : vector<32x1xf32>, vector<32x1xf32>
      }
      %add3A_276 = arith.addf %scan3A_275#0, %scan3A_275#1 : vector<32x1xf32>
      %mul3A_277 = arith.constant 5.000000e-01 : f32
      %mul3A_278 = vector.broadcast %mul3A_277 : f32 to vector<32x1xf32>
      %mul3A_279 = arith.mulf %mul3A_278, %add3A_276 : vector<32x1xf32>
      %gt3A = vector.broadcast %mul3A_279 : vector<32x1xf32> to vector<32x8732xf32>
      %gt3A_280 = arith.cmpf ogt, %get3A_256, %gt3A : vector<32x8732xf32>
      %convert_element_type3A_281 = arith.extui %gt3A_280 : vector<32x8732xi1> to vector<32x8732xi32>
      %convert_element_type3A_282 = arith.sitofp %convert_element_type3A_281 : vector<32x8732xi32> to vector<32x8732xf32>
      %reduce_sum3A_283 = arith.constant dense<0.000000e+00> : vector<32xf32>
      %reduce_sum3A_284 = vector.multi_reduction <add>, %convert_element_type3A_282, %reduce_sum3A_283 [1] : vector<32x8732xf32> to vector<32xf32>
      %broadcast_in_dim3A_285 = vector.shape_cast %reduce_sum3A_284 : vector<32xf32> to vector<32x1xf32>
      %jit3A_286 = arith.constant 0.000000e+00 : f32
      %broadcast_in_dim3A_287 = vector.broadcast %jit3A_286 : f32 to vector<32x8732xf32>
      %select_n3A_288 = arith.select %gt3A_280, %get3A_256, %broadcast_in_dim3A_287 : vector<32x8732xi1>, vector<32x8732xf32>
      %reduce_sum3A_289 = arith.constant dense<0.000000e+00> : vector<32xf32>
      %reduce_sum3A_290 = vector.multi_reduction <add>, %select_n3A_288, %reduce_sum3A_289 [1] : vector<32x8732xf32> to vector<32xf32>
      %broadcast_in_dim3A_291 = vector.shape_cast %reduce_sum3A_290 : vector<32xf32> to vector<32x1xf32>
      %sub3A_292 = arith.subf %min3A_266, %broadcast_in_dim3A_285 : vector<32x1xf32>
      %mul3A_293 = arith.mulf %sub3A_292, %mul3A_279 : vector<32x1xf32>
      %add3A_294 = arith.addf %broadcast_in_dim3A_291, %mul3A_293 : vector<32x1xf32>
      %slice3A_295 = vector.extract_strided_slice %get3A_259 {offsets = [0, 2], sizes = [32, 1], strides = [1, 1]} : vector<32x3xf32> to vector<32x1xf32>
      %reduce_sum3A_296 = vector.shape_cast %slice3A_295 : vector<32x1xf32> to vector<1x32x1xf32>
      %reduce_sum3A_297 = arith.constant dense<0.000000e+00> : vector<1xf32>
      %reduce_sum3A_298 = vector.multi_reduction <add>, %reduce_sum3A_296, %reduce_sum3A_297 [1, 2] : vector<1x32x1xf32> to vector<1xf32>
      %reduce_sum3A_299 = vector.shape_cast %reduce_sum3A_298 : vector<1xf32> to vector<1x1x1xf32>
      %reduce_sum3A_300 = vector.extract %reduce_sum3A_299[0, 0, 0] : f32 from vector<1x1x1xf32>
      %reduce_sum3A_301 = vector.shape_cast %add3A_294 : vector<32x1xf32> to vector<1x32x1xf32>
      %reduce_sum3A_302 = arith.constant dense<0.000000e+00> : vector<1xf32>
      %reduce_sum3A_303 = vector.multi_reduction <add>, %reduce_sum3A_301, %reduce_sum3A_302 [1, 2] : vector<1x32x1xf32> to vector<1xf32>
      %reduce_sum3A_304 = vector.shape_cast %reduce_sum3A_303 : vector<1xf32> to vector<1x1x1xf32>
      %reduce_sum3A_305 = vector.extract %reduce_sum3A_304[0, 0, 0] : f32 from vector<1x1x1xf32>
      %add3A_306 = arith.addf %reduce_sum3A_300, %reduce_sum3A_305 : f32
      %slice3A_307 = vector.extract_strided_slice %get3A_259 {offsets = [0, 1], sizes = [32, 1], strides = [1, 1]} : vector<32x3xf32> to vector<32x1xf32>
      %reduce_sum3A_308 = vector.shape_cast %slice3A_307 : vector<32x1xf32> to vector<1x32x1xf32>
      %reduce_sum3A_309 = arith.constant dense<0.000000e+00> : vector<1xf32>
      %reduce_sum3A_310 = vector.multi_reduction <add>, %reduce_sum3A_308, %reduce_sum3A_309 [1, 2] : vector<1x32x1xf32> to vector<1xf32>
      %reduce_sum3A_311 = vector.shape_cast %reduce_sum3A_310 : vector<1xf32> to vector<1x1x1xf32>
      %reduce_sum3A_312 = vector.extract %reduce_sum3A_311[0, 0, 0] : f32 from vector<1x1x1xf32>
      %reduce_sum3A_313 = vector.shape_cast %slice3A_260 : vector<32x1xf32> to vector<1x32x1xf32>
      %reduce_sum3A_314 = arith.constant dense<0.000000e+00> : vector<1xf32>
      %reduce_sum3A_315 = vector.multi_reduction <add>, %reduce_sum3A_313, %reduce_sum3A_314 [1, 2] : vector<1x32x1xf32> to vector<1xf32>
      %reduce_sum3A_316 = vector.shape_cast %reduce_sum3A_315 : vector<1xf32> to vector<1x1x1xf32>
      %reduce_sum3A_317 = vector.extract %reduce_sum3A_316[0, 0, 0] : f32 from vector<1x1x1xf32>
      %max3A_318 = arith.constant 1.000000e+00 : f32
      %max3A_319 = arith.maximumf %reduce_sum3A_317, %max3A_318 : f32
      %div3A_320 = arith.divf %reduce_sum3A_312, %max3A_319 : f32
      %broadcast_in_dim3A_321 = vector.broadcast %div3A_320 : f32 to vector<1x1xf32>
      %swap3A_322 = arith.constant 0 : index
      %swap3A_323 = arith.constant 0 : index
      %swap3A_324 = vector.load %arg6[%swap3A_322, %swap3A_323] : memref<1x1xf32, #tpu.memory_space<vmem>>, vector<1x1xf32>
      tpu.vector_store %arg6[%swap3A_322, %swap3A_323], %broadcast_in_dim3A_321 {strides = array<i32>} : memref<1x1xf32, #tpu.memory_space<vmem>>, vector<1x1xf32>,
      %div3A_325 = arith.divf %add3A_306, %max3A_319 : f32
      %broadcast_in_dim3A_326 = vector.broadcast %div3A_325 : f32 to vector<1x1xf32>
      %swap3A_327 = arith.constant 0 : index
      %swap3A_328 = arith.constant 0 : index
      %swap3A_329 = vector.load %arg7[%swap3A_327, %swap3A_328] : memref<1x1xf32, #tpu.memory_space<vmem>>, vector<1x1xf32>
      tpu.vector_store %arg7[%swap3A_327, %swap3A_328], %broadcast_in_dim3A_326 {strides = array<i32>} : memref<1x1xf32, #tpu.memory_space<vmem>>, vector<1x1xf32>,
    } else {
    }
    return
  }
  func.func @transform_0(%arg0: i32) -> (i32, i32) {
    %c0_i32 = arith.constant 0 : i32
    %c0_i32_0 = arith.constant 0 : i32
    %c0_i32_1 = arith.constant 0 : i32
    return %c0_i32, %c0_i32_0 : i32, i32
  }
  func.func @transform_1(%arg0: i32) -> (i32, i32, i32) {
    %c0_i32 = arith.constant 0 : i32
    %c0_i32_0 = arith.constant 0 : i32
    %c0_i32_1 = arith.constant 0 : i32
    return %arg0, %c0_i32, %c0_i32_0 : i32, i32, i32
  }
  func.func @transform_2(%arg0: i32) -> (i32, i32, i32) {
    %c0_i32 = arith.constant 0 : i32
    %c0_i32_0 = arith.constant 0 : i32
    %c0_i32_1 = arith.constant 0 : i32
    return %arg0, %c0_i32, %c0_i32_0 : i32, i32, i32
  }
  func.func @transform_3(%arg0: i32) -> (i32, i32, i32) {
    %c0_i32 = arith.constant 0 : i32
    %c0_i32_0 = arith.constant 0 : i32
    %c0_i32_1 = arith.constant 0 : i32
    return %arg0, %c0_i32, %c0_i32_0 : i32, i32, i32
  }
  func.func @transform_4(%arg0: i32) -> (i32, i32, i32) {
    %c0_i32 = arith.constant 0 : i32
    %c0_i32_0 = arith.constant 0 : i32
    %c0_i32_1 = arith.constant 0 : i32
    return %arg0, %c0_i32, %c0_i32_0 : i32, i32, i32
  }
  func.func @transform_5(%arg0: i32) -> (i32, i32) {
    %c0_i32 = arith.constant 0 : i32
    %c0_i32_0 = arith.constant 0 : i32
    %c0_i32_1 = arith.constant 0 : i32
    return %c0_i32, %c0_i32_0 : i32, i32
  }
  func.func @transform_6(%arg0: i32) -> (i32, i32) {
    %c0_i32 = arith.constant 0 : i32
    %c0_i32_0 = arith.constant 0 : i32
    %c0_i32_1 = arith.constant 0 : i32
    return %c0_i32, %c0_i32_0 : i32, i32
  }
}

</mosaic_0001>

<sc_bundles>
// kernel: sparse-core-data-format-call.cloned.1.call-start
scs
called_computation_lowered:
.L_overlay_start_0:
0x0: {  	s1 =	sld [smem:$0x3FD9]  }
0x1: {  	s2 =	sld [smem:$0x3FFE];
	_ =	sdelay $0x1  }
0x2: {  	s3 =	srdreg.scid  }
0x3: {  	s0 =	sand.u32 $0x1, s3  }
0x4: {  	s17 =	sshll.u32 s0, $0xA;
	s1 =	sadd.s32 s2, s1  }
0x5: {  	s1 =	sadd.s32 s1, s17  }
0x6: {  	[smem:$0x3FC3] =	sst s1  }
0x7: {  	_ = 	snop  }
0x8: {  	(tm) =	ssettm $0x1  }
0x9: {  	s18 =	sld [smem:$0x3FFB];
	_ =	sdelay $0x3  }
0xa: {  	_ =	strace s18  }
0xb: {  	s1 =	sld [smem:$0x3FFC];
	_ =	sdelay $0x3  }
0xc: {  	_ =	strace s1  }
0xd: {  	s1 =	sld [smem:$0x3FFD];
	_ =	sdelay $0x3  }
0xe: {  	_ =	strace s1  }
0xf: {  	_ =	strace $0x8FFFFFFF  }
0x10: {  	s19 =	sld [smem:$0x3FDB];
	_ =	sdelay $0x1  }
0x11: {  	s20 =	simm.s32 $_scs_section_size  }
0x12: {  	s4 =	simm.s32 $_size__tile_overlayer_lowered;
	s5 =	simm.s32 $_tile_overlayer_lowered  }
0x13: {  	s23 =	simm.s32 $0x1BFF;
	s22 =	sshll.u32 s5, $0x1;
	s1 =	sadd.s32 s20, s19  }
0x14: {  	s6 =	simm.s32 $0x0;
	s21 =	sshll.u32 s4, $0x1;
	s4 =	sadd.s32 s22, s1  }
0x15: {  	[timem:s6], [sflag:s23] =	dma.local [hbm:s4], s21  }
0x16: {  	_ =	swait.ge [sflag:s23], s21  }
0x17: {  	s2 =	ssub.s32 $0x0, s21;
	[sflag:s23] =	ssyncset.done $0x0  }
0x18: {  	[sflag:s23] =	ssyncadd.s32 s2;
	_ =	sdelay $0x1  }
0x19: {  	s24 =	simm.s32 $0x1B8B  }
0x1a: {  	_ =	swait.ge [sflag:s24], $0x1  }
0x1b: {  	[sflag:s24] =	ssyncset.done $0x0  }
0x1c: {  	s26 =	simm.s32 $0x1B8E;
	s25 =	sld [smem:$0x3FFE];
	[sflag:s24] =	ssyncadd.s32 $0xFFFFFFFF  }
0x1d: {  	s27 =	simm.s32 $execute0_lowered;
	[smem:$0x3FD2] =	sst s26  }
0x1e: {  	s4 =	sshll.u32 s27, $0x1;
	_ =	strace $0x80000046;
	[dreg:$0x1] =	wrdreg $0xFFFFFFFF  }
0x1f: {  	s28 =	simm.s32 $_size_execute0_lowered;
	s1 =	sadd.s32 s1, s4;
	[dreg:$0x0] =	wrdreg $0x0  }
0x20: {  	s4 =	sshll.u32 s28, $0x1;
	[dreg:$0x2] =	wrdreg s1  }
0x21: {  	[dreg:$0x3] =	wrdreg s4  }
0x22: {  	[dreg:$0x4] =	wrdreg $0xC0  }
0x23: {  	_ =	task [dreg:s6], $0x5FFFF  }
0x24: {  	[dreg:$0x1] =	wrdreg $0xFFFFFFFF  }
0x25: {  	[dreg:$0x0] =	wrdreg $0x60  }
0x26: {  	[dreg:$0x2] =	wrdreg s25  }
0x27: {  	[dreg:$0x3] =	wrdreg $0x9  }
0x28: {  	_ =	task.clear_ibuf [dreg:s6], $0x4FFFF;
	_ =	strace $0x90000046  }
0x29: {  	s29 =	simm.s32 $0x9;
	_ =	strace $0x80000048  }
0x2a: {  	_ =	swait.ge [sflag:s29], $0x1  }
0x2b: {  	[sflag:s29] =	ssyncadd.s32 $0xFFFFFFFF  }
0x2c: {  	_ =	strace $0x90000048  }
0x2d: {  	_ =	sfence  }
0x2e: {  	s30 =	sld [smem:$0x0];
	_ =	sdelay $0x2  }
0x2f: {  	s31 =	sshll.u32 s3, $0xD;
	s3 =	sshrl.u32 s3, $0x2  }
0x30: {  	s2 =	sand.u32 $0x4000, s31;
	s1 =	sadd.s32 s3, s30  }
0x31: {  	s0 =	sor.u32 s2, s0;
	s1 =	sshll.u32 s1, $0x11  }
0x32: {  	s0 =	sor.u32 s1, s0  }
0x33: {  	s0 =	sadd.s32 $0x8F2B, s0  }
0x34: {  	[sflag:s0] =	ssyncadd.remote.s32 $0x1  }
0x35: {  	_ =	sfence.sel $0xFFFF  }
0x36: {  	[dreg:$0x0] =	wrdreg $0xFFFFFFFF;
	(pc) =	sbr.abs _section_cstart, $3  }
0x37: {  	[dreg:$0x1] =	wrdreg $0xFFFFFFFF  }
0x38: {  	_ =	task.clear_ibuf [dreg:s6], $0x2FFFF;
	_ =	strace $0x9FFFFFFF  }
0x39: {  	(tm) =	ssettm $0x7FFFFFFF  }
tec
execute0_lowered:
.L_overlay_start_1:
0x0: {  	(tag) =	ssettag $0x1  }
0x1: {  	s0 =	srdreg.scid;
	s5 =	rddreg [dreg:$0x0];
	s6 =	simm.s32 $0x2  }
0x2: {  	s15 =	simm.s32 $0x0;
	s8 =	simm.s32 $0x5EE00;
	s1 =	sshll.u32 s0, $0x4  }
0x3: {  	s9 =	simm.s32 $0x0;
	s0 =	stileid.u32;
	s1 =	sand.u32 $0x10, s1  }
0x4: {  	s14 =	simm.s32 $0x0;
	s16 =	simm.s32 $0x0;
	s1 =	sor.u32 s0, s1  }
0x5: {  	s11 =	simm.s32 $0x0;
	s12 =	simm.s32 $0x0;
	s2 =	sshll.u32 s1, $0x7  }
.Ltmp0:
0x6: {  	s13 =	simm.s32 $0x0;
	s3 =	ssub.s32 $0x2200, s2;
	(pc) =	sbr.rel .LBB1_1-.Ltmp0, $4  }
0x7: {  	s1 =	rddreg [dreg:$0x1];
	_ =	strace $0x80000047;
	s4 =	sshrl.u32 s3, $0xC  }
0x8: {  	s10 =	smov.u32 s2;
	s3 =	simm.s32 $0x1;
	s7 =	smul.u32 $0xB, s4  }
0x9: {  	s4 =	sadd.s32 $0x1400, s5;
	[sflag:s3] =	ssyncpa.u1 $0x0;
	s5 =	sadd.s32 $0x15EA00, s5  }
0xa: {  	[sflag:s6] =	ssyncpa.u1 $0x0;
	s6 =	sadd.s32 $0xB, s7;
	s7 =	sadd.s32 $0xC, s7  }
.LBB1_7:
0xb: {  	s17 =	sadd.s32 $0x1000, s10  }
0xc: {  	s14 =	sadd.s32 $0x20, s11;
	s18 =	smov.u32 s11;
	p1 =	sgt.s32 s17, $0x221B  }
0xd: {  	s18 =	smov.u32 @p1 s14  }
0xe: {  	s20 =	smov.u32 s12;
	s14 =	sadd.s32 $0x8, s12;
	p2 =	sgt.s32 s18, $0x1F  }
0xf: {  	s20 =	smov.u32 @p2 s14  }
0x10: {  	s17 =	smov.u32 @p1 s2;
	p1 =	sgt.s32 s20, $0x50  }
0x11: {  	p0 =	slt.u32 s13, $0x2;
	s20 =	simm.s32 @p1 $0x0;
	p1 =	sne.s32 s13, s7  }
.Ltmp1:
0x12: {  	s19 =	simm.s32 @!p0 $0x2;
	(pc) =	sbr.rel @!p1 .LBB1_8-.Ltmp1, $4  }
0x13: {  	s15 =	smov.u32 s10;
	s16 =	smov.u32 s12;
	_ =	swait.ge @!p0 [sflag:s19], $0x4000  }
0x14: {  	s9 =	sadd.s32 $0x8000, s9;
	[sflag:s19] =	ssyncset.done @!p0 $0x0;
	s10 =	smov.u32 s17  }
0x15: {  	s18 =	simm.s32 @p2 $0x0;
	s14 =	smov.u32 s11;
	[sflag:s19] =	ssyncadd.s32 @!p0 $0xFFFFC000  }
0x16: {  	s11 =	smov.u32 s18;
	s13 =	sadd.s32 $0x1, s13;
	s12 =	smov.u32 s20  }
.LBB1_1:
0x17: {  	p0 =	sge.u32 s13, s6;
	s21 =	smov.u32 s10  }
0x18: {  	s17 =	sshrl.u32 @!p0 s11, $0x3;
	s18 =	sshll.u32 @!p0 s10, $0x3;
	s19 =	sshll.u32 @!p0 s11, $0x7  }
0x19: {  	p1 =	sgt.s32 @!p0 s12, $0x49;
	s20 =	sshra.s32 @!p0 s12, $0x1F;
	s17 =	smul.u32 @!p0 $0x11400, s17  }
0x1a: {  	s22 =	sshra.s32 @!p0 s10, $0x1F;
	s18 =	sand.u32 @!p0 $0xFFFFFC00, s18;
	p1 =	por !p1, p0  }
0x1b: {  	s17 =	sadd.s32 @!p0 s17, s18;
	s18 =	sand.u32 @!p0 $0x300, s19;
	s19 =	sshll.u32 @!p0 s10, $0x1  }
0x1c: {  	s20 =	sand.u32 @!p0 s20, s12;
	s17 =	sor.u32 @!p0 s18, s17;
	s18 =	sand.u32 @!p0 $0xFE, s19  }
0x1d: {  	s19 =	sand.u32 @!p0 $0x1, s11;
	s17 =	sor.u32 @!p0 s18, s17;
	s18 =	smov.u32 s12  }
0x1e: {  	s18 =	simm.s32 @p1 $0x49;
	p1 =	sgt.s32 @!p0 s10, $0x2200;
	s19 =	sor.u32 @!p0 s19, s17  }
0x1f: {  	s17 =	smulhi.u32 @!p0 $0x76B981DB, s17;
	p1 =	por !p1, p0;
	s18 =	ssub.s32 @!p0 s18, s20  }
0x20: {  	s20 =	sand.u32 @!p0 s22, s10;
	s21 =	simm.s32 @p1 $0x2200;
	s22 =	sadd.s32 @!p0 $0xFFFFFFB7, s18  }
0x21: {  	s18 =	ssub.s32 @!p0 $0x51, s18;
	s17 =	sshrl.u32 @!p0 s17, $0xC;
	s20 =	ssub.s32 @!p0 s21, s20  }
0x22: {  	p1 =	sgt.s32 @!p0 s22, $0x7;
	s21 =	ssub.s32 @!p0 $0x0, s11;
	s17 =	sand.u32 @!p0 $0x1F, s17  }
0x23: {  	s22 =	sadd.s32 @!p0 $0xFFFFDE00, s20;
	s21 =	smin.u32 @!p0 s11, s21;
	p1 =	por !p1, p0  }
0x24: {  	p2 =	sgt.s32 @!p0 s22, $0x7F;
	s22 =	smulhi.u32 @!p0 $0x76B981DB, s19;
	p3 =	sgt.s32 @!p0 s21, $0x1F  }
0x25: {  	s18 =	simm.s32 @!p1 $0x0;
	s21 =	ssub.s32 @!p0 $0x20, s21;
	p1 =	por !p3, p0  }
0x26: {  	s20 =	ssub.s32 @!p0 $0x2280, s20;
	s17 =	smul.u32 @!p0 $0x228, s17;
	s21 =	simm.s32 @!p1 $0x0  }
0x27: {  	s22 =	sshrl.u32 @!p0 s22, $0xC;
	p1 =	por !p2, p0;
	s18 =	smul.u32 @!p0 s21, s18  }
0x28: {  	s21 =	smul.u32 @!p0 $0x2280, s22;
	s20 =	simm.s32 @!p1 $0x0  }
0x29: {  	s18 =	smul.u32 @!p0 s20, s18  }
0x2a: {  	s22 =	sxor.u32 @!p0 $0xFFFFFFFF, s13;
	s20 =	smul.u32 @!p0 $0x4500, s12;
	s19 =	ssub.s32 @!p0 s19, s21  }
0x2b: {  	s21 =	sshrl.u32 @!p0 s19, $0x4;
	s19 =	sshll.u32 @!p0 s19, $0x11;
	s18 =	sshrl.u32 @!p0 s18, $0x1  }
0x2c: {  	s20 =	sadd.s32 @!p0 s4, s20;
	s19 =	sand.u32 @!p0 $0x1C0000, s19;
	s18 =	sand.u32 @!p0 $0x3FFFFFFF, s18  }
0x2d: {  	s17 =	sadd.s32 @!p0 s17, s20;
	s20 =	sshll.u32 @!p0 s22, $0xE;
	s19 =	sor.u32 @!p0 $0x200, s19  }
0x2e: {  	s17 =	sadd.s32 @!p0 s21, s17;
	s20 =	sand.u32 @!p0 $0x4000, s20;
	s21 =	simm.s32 @!p0 $0x8A00  }
0x2f: {  	[tilespmem:s20], [sflag:$0x1] =	stream.strided.gather @!p0 [hbm4b:s17+s19], s18, s21, s19, $0x38;
	[tilespmem:$0x10000] =	vst v63  }
0x30: {  	p0 =	seq.s32 s13, $0x0  }
0x31: {  	p1 =	sge.u32 @!p0 s13, s7  }
0x32: {  	p0 =	por p0, p1  }
.Ltmp2:
0x33: {  	_ = 	snop;
	(pc) =	sbr.rel @p0 .LBB1_7-.Ltmp2, $1  }
0x34: {  	_ =	sdelay $0x3  }
0x35: {  	p0 =	sgt.s32 s16, $0x49  }
0x36: {  	s17 =	smov.u32 s16;
	s18 =	sshra.s32 s16, $0x1F;
	s28 =	ssub.s32 $0x0, s14  }
0x37: {  	p1 =	sgt.s32 s15, $0x2200;
	s17 =	simm.s32 @!p0 $0x49;
	s18 =	sand.u32 s18, s16  }
0x38: {  	s19 =	smov.u32 s15;
	s20 =	sshra.s32 s15, $0x1F;
	s17 =	ssub.s32 s17, s18  }
0x39: {  	s19 =	simm.s32 @!p1 $0x2200;
	s20 =	sand.u32 s20, s15;
	s18 =	sadd.s32 $0xFFFFFFB7, s17  }
0x3a: {  	s19 =	ssub.s32 s19, s20;
	p0 =	sgt.s32 s18, $0x7;
	s18 =	smin.u32 s14, s28  }
0x3b: {  	s17 =	ssub.s32 $0x51, s17;
	p1 =	sgt.s32 s18, $0x1F;
	s18 =	ssub.s32 $0x20, s18  }
0x3c: {  	s20 =	sadd.s32 $0xFFFFDE00, s19;
	s17 =	simm.s32 @p0 $0x0;
	s18 =	simm.s32 @p1 $0x0  }
0x3d: {  	p0 =	sgt.s32 s20, $0x7F;
	s17 =	smul.u32 s18, s17;
	s18 =	ssub.s32 $0x2280, s19  }
0x3e: {  	s18 =	simm.s32 @p0 $0x0  }
0x3f: {  	s17 =	smul.u32 s18, s17;
	_ =	sdelay $0x1  }
0x40: {  	s29 =	sshrl.u32 s9, $0x1;
	s17 =	sshrl.u32 s17, $0x1  }
0x41: {  	s31 =	sshll.u32 s13, $0xE;
	s30 =	sand.u32 $0x4000, s29;
	s17 =	sand.u32 $0x3FFFFFFF, s17  }
0x42: {  	s20 =	sand.u32 $0x4000, s31;
	s19 =	sor.u32 $0x8200, s30;
	_ =	swait.ge [sflag:s3], s17  }
0x43: {  	s18 =	sor.u32 $0x800, s30;
	s17 =	ssub.s32 $0x0, s17;
	[sflag:s3] =	ssyncset.done $0x0  }
0x44: {  	[sflag:s3] =	ssyncadd.s32 s17;
	s17 =	sor.u32 $0x8000, s20;
	s20 =	simm.s32 $0x0  }
.LBB1_3:
0x45: {  	v0 =	vld [tilespmem:s18+$0xFFFFF870]  }
0x46: {  	v1 =	vld [tilespmem:s18+$0x70]  }
0x47: {  	v2 =	vld [tilespmem:s18+$0x0]  }
0x48: {  	v3 =	vld [tilespmem:s18+$0xFFFFF810]  }
0x49: {  	v4 =	vld [tilespmem:s18+$0x10]  }
0x4a: {  	v5 =	vld [tilespmem:s18+$0xFFFFF820]  }
0x4b: {  	v7 =	vld [tilespmem:s18+$0x20]  }
0x4c: {  	v11 =	vld [tilespmem:s18+$0x30];
	v6 =	vunpack.i.l.s16.s32 v0;
	v8 =	vunpack.i.u.s16.s32 v0;
	v9 =	vunpack.i.u.s16.s32 v1  }
0x4d: {  	v10 =	vunpack.i.l.s16.s32 v1;
	v0 =	vunpack.i.u.s16.s32 v2;
	v1 =	vunpack.i.l.s16.s32 v2;
	v2 =	vld [tilespmem:s18+$0xFFFFF830]  }
0x4e: {  	v8 =	vpack.i.b32.b16 v9, v8;
	v9 =	vunpack.i.u.s16.s32 v3;
	v3 =	vunpack.i.l.s16.s32 v3  }
0x4f: {  	v12 =	vld [tilespmem:s18+$0xFFFFF840];
	v6 =	vpack.i.b32.b16 v10, v6;
	[tilespmem:s19+$0x70] =	vst v8;
	v8 =	vunpack.i.u.s16.s32 v4;
	v4 =	vunpack.i.l.s16.s32 v4  }
0x50: {  	v13 =	vld [tilespmem:s18+$0x40];
	v10 =	vunpack.i.u.s16.s32 v5;
	v5 =	vunpack.i.l.s16.s32 v5;
	[tilespmem:s19+$0xFFFFFE70] =	vst v6;
	v3 =	vpack.i.b32.b16 v4, v3  }
0x51: {  	v6 =	vunpack.i.l.s16.s32 v7;
	v4 =	vld [tilespmem:s18+$0xFFFFF850];
	[tilespmem:s19+$0xFFFFFE10] =	vst v3;
	v3 =	vpack.i.b32.b16 v8, v9;
	v8 =	vunpack.i.u.s16.s32 v7  }
0x52: {  	v7 =	vunpack.i.l.s16.s32 v11;
	[tilespmem:s19+$0x10] =	vst v3;
	v3 =	vpack.i.b32.b16 v6, v5;
	v9 =	vunpack.i.u.s16.s32 v2;
	v6 =	vld [tilespmem:s18+$0x50]  }
0x53: {  	v5 =	vunpack.i.l.s16.s32 v2;
	v2 =	vld [tilespmem:s18+$0xFFFFF860];
	[tilespmem:s19+$0xFFFFFE20] =	vst v3;
	v3 =	vpack.i.b32.b16 v8, v10;
	v10 =	vunpack.i.u.s16.s32 v11  }
0x54: {  	s23 =	simm.s32 $0x0;
	v11 =	vpack.i.b32.b16 v7, v5;
	v7 =	vunpack.i.u.s16.s32 v12;
	v8 =	vunpack.i.l.s16.s32 v12;
	[tilespmem:s19+$0x20] =	vst v3;
	v3 =	vld [tilespmem:s18+$0x60]  }
0x55: {  	s24 =	sadd.s32 $0x80, s18;
	s22 =	smov.u32 s19;
	s21 =	smov.u32 s19;
	v5 =	vld [tilespmem:s18+$0xFFFFF800];
	[tilespmem:s19+$0xFFFFFE30] =	vst v11;
	v10 =	vpack.i.b32.b16 v10, v9;
	v9 =	vunpack.i.u.s16.s32 v13;
	v11 =	vunpack.i.l.s16.s32 v13  }
.LBB1_4:
0x56: {  	v12 =	vld [tilespmem:s24+$0xFFFFF870];
	[tilespmem:s22+$0x30] =	vst v10;
	v8 =	vpack.i.b32.b16 v11, v8;
	v10 =	vunpack.i.u.s16.s32 v4;
	v4 =	vunpack.i.l.s16.s32 v4  }
0x57: {  	s23 =	sadd.s32 $0x2, s23;
	v7 =	vpack.i.b32.b16 v9, v7;
	v11 =	vld [tilespmem:s24+$0x70];
	[tilespmem:s22+$0xFFFFFE40] =	vst v8;
	v8 =	vunpack.i.u.s16.s32 v6;
	v6 =	vunpack.i.l.s16.s32 v6  }
0x58: {  	p0 =	slt.u32 s23, $0x1E;
	v9 =	vld [tilespmem:s24+$0x0];
	[tilespmem:s22+$0x40] =	vst v7;
	v4 =	vpack.i.b32.b16 v6, v4;
	v6 =	vunpack.i.u.s16.s32 v2;
	v2 =	vunpack.i.l.s16.s32 v2  }
0x59: {  	v7 =	vld [tilespmem:s24+$0xFFFFF810];
	[tilespmem:s22+$0xFFFFFE50] =	vst v4;
	v4 =	vpack.i.b32.b16 v8, v10;
	v8 =	vunpack.i.u.s16.s32 v3;
	v3 =	vunpack.i.l.s16.s32 v3  }
0x5a: {  	v10 =	vld [tilespmem:s24+$0x10];
	v13 =	vunpack.i.u.s16.s32 v5;
	v5 =	vunpack.i.l.s16.s32 v5;
	[tilespmem:s22+$0x50] =	vst v4;
	v2 =	vpack.i.b32.b16 v3, v2  }
0x5b: {  	v3 =	vld [tilespmem:s24+$0xFFFFF820];
	v4 =	vunpack.i.l.s16.s32 v12;
	v1 =	vpack.i.b32.b16 v1, v5;
	v5 =	vpack.i.b32.b16 v0, v13;
	[tilespmem:s22+$0xFFFFFE60] =	vst v2  }
0x5c: {  	v12 =	vunpack.i.u.s16.s32 v12;
	v2 =	vld [tilespmem:s24+$0x20];
	v13 =	vunpack.i.u.s16.s32 v11;
	v11 =	vunpack.i.l.s16.s32 v11;
	[tilespmem:s22+$0xFFFFFE00] =	vst v1  }
0x5d: {  	s22 =	sadd.s32 $0x400, s22;
	v0 =	vunpack.i.u.s16.s32 v9;
	v1 =	vunpack.i.l.s16.s32 v9;
	v9 =	vld [tilespmem:s24+$0xFFFFF830];
	v12 =	vpack.i.b32.b16 v13, v12;
	[tilespmem:s21+$0x0] =	vst v5  }
0x5e: {  	v6 =	vpack.i.b32.b16 v8, v6;
	v5 =	vunpack.i.u.s16.s32 v7;
	v7 =	vunpack.i.l.s16.s32 v7;
	v13 =	vld [tilespmem:s24+$0x30];
	[tilespmem:s22+$0x70] =	vst v12  }
0x5f: {  	v4 =	vpack.i.b32.b16 v11, v4;
	v8 =	vunpack.i.u.s16.s32 v10;
	v10 =	vunpack.i.l.s16.s32 v10;
	v12 =	vld [tilespmem:s24+$0xFFFFF840];
	[tilespmem:s21+$0x60] =	vst v6;
	s21 =	smov.u32 s22  }
0x60: {  	v6 =	vpack.i.b32.b16 v10, v7;
	v7 =	vunpack.i.u.s16.s32 v3;
	v3 =	vunpack.i.l.s16.s32 v3;
	v11 =	vld [tilespmem:s24+$0x40];
	[tilespmem:s22+$0xFFFFFE70] =	vst v4  }
.Ltmp3:
0x61: {  	v5 =	vpack.i.b32.b16 v8, v5;
	[tilespmem:s22+$0xFFFFFE10] =	vst v6;
	v8 =	vunpack.i.u.s16.s32 v2;
	v2 =	vunpack.i.l.s16.s32 v2;
	v4 =	vld [tilespmem:s24+$0xFFFFF850];
	(pc) =	sbr.rel @p0 .LBB1_4-.Ltmp3, $4  }
0x62: {  	[tilespmem:s22+$0x10] =	vst v5;
	v2 =	vpack.i.b32.b16 v2, v3;
	v10 =	vunpack.i.u.s16.s32 v9;
	v3 =	vunpack.i.l.s16.s32 v9;
	v6 =	vld [tilespmem:s24+$0x50]  }
0x63: {  	v5 =	vpack.i.b32.b16 v8, v7;
	[tilespmem:s22+$0xFFFFFE20] =	vst v2;
	v9 =	vunpack.i.u.s16.s32 v13;
	v7 =	vunpack.i.l.s16.s32 v13;
	v2 =	vld [tilespmem:s24+$0xFFFFF860]  }
0x64: {  	[tilespmem:s22+$0x20] =	vst v5;
	v13 =	vpack.i.b32.b16 v7, v3;
	v7 =	vunpack.i.u.s16.s32 v12;
	v8 =	vunpack.i.l.s16.s32 v12;
	v3 =	vld [tilespmem:s24+$0x60]  }
0x65: {  	v10 =	vpack.i.b32.b16 v9, v10;
	v5 =	vld [tilespmem:s24+$0xFFFFF800];
	[tilespmem:s22+$0xFFFFFE30] =	vst v13;
	v9 =	vunpack.i.u.s16.s32 v11;
	v11 =	vunpack.i.l.s16.s32 v11;
	s24 =	sadd.s32 $0x80, s24  }
0x66: {  	[tilespmem:s22+$0x30] =	vst v10;
	v8 =	vpack.i.b32.b16 v11, v8  }
0x67: {  	v51 =	vunpack.i.l.s16.s32 v4;
	v7 =	vpack.i.b32.b16 v9, v7;
	[tilespmem:s22+$0xFFFFFE40] =	vst v8;
	v52 =	vunpack.i.l.s16.s32 v6  }
0x68: {  	v53 =	vunpack.i.u.s16.s32 v4;
	v54 =	vunpack.i.u.s16.s32 v6;
	[tilespmem:s22+$0x40] =	vst v7;
	v55 =	vpack.i.b32.b16 v52, v51  }
0x69: {  	p0 =	slt.u32 s20, $0x6;
	v56 =	vunpack.i.l.s16.s32 v2;
	v4 =	vpack.i.b32.b16 v54, v53;
	[tilespmem:s22+$0xFFFFFE50] =	vst v55;
	v57 =	vunpack.i.l.s16.s32 v3  }
.Ltmp4:
0x6a: {  	[tilespmem:s22+$0x50] =	vst v4;
	v58 =	vunpack.i.l.s16.s32 v5;
	v59 =	vpack.i.b32.b16 v57, v56;
	(pc) =	sbr.rel @p0 .LBB1_3-.Ltmp4, $4  }
0x6b: {  	v61 =	vunpack.i.u.s16.s32 v2;
	v62 =	vunpack.i.u.s16.s32 v3;
	v1 =	vpack.i.b32.b16 v1, v58;
	[tilespmem:s22+$0xFFFFFE60] =	vst v59  }
0x6c: {  	v60 =	vunpack.i.u.s16.s32 v5;
	v63 =	vpack.i.b32.b16 v62, v61;
	[tilespmem:s22+$0xFFFFFE00] =	vst v1  }
0x6d: {  	s31 =	sadd.s32 $0x2, s20;
	v0 =	vpack.i.b32.b16 v0, v60;
	[tilespmem:s21+$0x60] =	vst v63  }
0x6e: {  	s18 =	sadd.s32 $0x1000, s18;
	s19 =	sadd.s32 $0x80, s19;
	s20 =	smov.u32 s31;
	[tilespmem:s21+$0x0] =	vst v0  }
0x6f: {  	s18 =	sshrl.u32 s16, $0x3  }
0x70: {  	s19 =	sshll.u32 s15, $0x3;
	s18 =	smul.u32 $0x11400, s18  }
0x71: {  	s20 =	sshll.u32 s16, $0x7;
	s19 =	sand.u32 $0xFFFFFC00, s19  }
0x72: {  	s25 =	sshll.u32 s15, $0x1;
	s24 =	sand.u32 $0x300, s20;
	s18 =	sadd.s32 s18, s19  }
0x73: {  	s15 =	sand.u32 $0xFE, s25;
	s18 =	sor.u32 s24, s18  }
0x74: {  	s15 =	sor.u32 s15, s18  }
0x75: {  	s18 =	smulhi.u32 $0x76B981DB, s15;
	_ =	sdelay $0x1  }
0x76: {  	s26 =	sand.u32 $0x1, s16;
	s18 =	sshrl.u32 s18, $0xC  }
0x77: {  	s15 =	sor.u32 s26, s15;
	s27 =	smulhi.u32 $0x2E8BA2F, s18  }
0x78: {  	s16 =	smulhi.u32 $0x76B981DB, s15  }
0x79: {  	s19 =	smul.u32 $0x58, s27  }
0x7a: {  	s14 =	smul.u32 $0xBDC0, s14;
	s16 =	sshrl.u32 s16, $0xC  }
0x7b: {  	s16 =	smul.u32 $0x2280, s16;
	s18 =	ssub.s32 s18, s19  }
0x7c: {  	s28 =	smul.u32 $0x228, s18  }
.Ltmp5:
0x7d: {  	s15 =	ssub.s32 s15, s16;
	(pc) =	sbr.rel .LBB1_7-.Ltmp5, $4  }
0x7e: {  	s14 =	sadd.s32 s5, s14;
	s29 =	sshll.u32 s15, $0x11  }
0x7f: {  	s15 =	sshrl.u32 s15, $0x4;
	s30 =	sand.u32 $0x1C0000, s29;
	s14 =	sadd.s32 s28, s14  }
0x80: {  	s31 =	sor.u32 $0x200, s30;
	s14 =	sadd.s32 s15, s14  }
0x81: {  	[hbm4b:s14+s31] =	stream.strided.scatter [tilespmem:s17], [sflag:$0x2], $0x4000, s8, s31, $0x38;
	[tilespmem:$0x10000] =	vst v63  }
.LBB1_8:
0x82: {  	_ =	sfence.sel $0x180000  }
0x83: {  	s2 =	simm.s32 $0x1;
	[bflag:$0x0] =	sbarrier.arrive $0xFFFF  }
0x84: {  	s31 =	simm.s32 $0x2;
	[sflag:s2] =	ssyncpa.u1 $0x1  }
0x85: {  	[sflag:s31] =	ssyncpa.u1 $0x1  }
0x86: {  	p0 =	sne.s32 s0, $0x0;
	_ =	strace $0x90000047  }
0x87: {  	s0 =	sadd.s32 @!p0 $0x100000, s1;
	[bflag:$0x2] =	sbarrier.arrive $0xFFFF  }
0x88: {  	[sflag:s0] =	ssyncadd.tile.s32 @!p0 $0x1;
	_ =	shalt  }
.Lfunc_end1:
_tile_overlayer_lowered:
.L_overlay_start_2:
0x89: {  	(tag) =	ssettag $0x2  }
0x8a: {  	s0 =	rddreg [dreg:$0x0];
	s2 =	stileid.u32  }
0x8b: {  	s1 =	rddreg [dreg:$0x1];
	p0 =	sne.s32 s2, $0x0  }
0x8c: {  	s3 =	rddreg [dreg:$0x2];
	[bflag:$0x3] =	sbarrier.arrive $0xFFFF;
	s2 =	simm.s32 @!p0 $0x1C01  }
0x8d: {  	[timem:s3], [sflag:s2] =	dma.local @!p0 [hbm:s0], s1  }
0x8e: {  	s0 =	simm.s32 @!p0 $0x1  }
0x8f: {  	_ =	swait.ge @!p0 [sflag:s0], s1  }
0x90: {  	s1 =	ssub.s32 @!p0 $0x0, s1;
	[sflag:s0] =	ssyncset.done @!p0 $0x0  }
0x91: {  	[sflag:s0] =	ssyncadd.s32 @!p0 s1  }
0x92: {  	[bflag:$0x3] =	sbarrier.arrive $0xFFFF  }
0x93: {  	_ =	shalt  }

</sc_bundles>
